<compile_context>
chip_gen: v7x
topology: tpu7x:2x2x1
jax: 0.10.2.dev20260603
libtpu: 0.0.44.dev20260713+nightly
codegen_flags: <defaults>
</compile_context>

<pallas_src>
import jax
import jax.numpy as jnp
from jax import lax
from jax.experimental import pallas as pl
from jax.experimental.pallas import tpu as pltpu
from jax.experimental.pallas import tpu_sc as plsc

N = 100000
D = 128
NC = 2
NS = 16
NW = NC * NS
CHUNK = 3136
BETA = 1.0


def _body(xf_hbm, p_hbm, im_hbm, part_hbm, idx_v, psrc_v, p_v, im_v, out_v, shared, all_v, sem, semb, semc):
    c = lax.axis_index("c")
    s = lax.axis_index("s")
    wid = s * NC + c
    start = wid * CHUNK
    base = jnp.minimum(start, N - CHUNK)
    half = CHUNK // 2

    cp1 = pltpu.async_copy(p_hbm.at[pl.ds(base, CHUNK)], p_v, sem)
    cp2 = pltpu.async_copy(im_hbm.at[pl.ds(base, CHUNK)], im_v, sem)

    iota = lax.iota(jnp.int32, 16)

    def _fill(off):
        idx_v[pl.ds(off, 16)] = (base + off + iota) * D + (D - 1)

    plsc.parallel_loop(0, half, 16, unroll=2)(_fill)
    cpg0 = pltpu.async_copy(
        xf_hbm.at[idx_v.at[pl.ds(0, half)]], psrc_v.at[pl.ds(0, half)], semb
    )
    plsc.parallel_loop(half, CHUNK, 16, unroll=2)(_fill)
    cpg1 = pltpu.async_copy(
        xf_hbm.at[idx_v.at[pl.ds(half, half)]], psrc_v.at[pl.ds(half, half)], semc
    )

    cpg0.wait()
    cp1.wait()
    cp2.wait()

    zero_f = jnp.zeros((16,), jnp.float32)
    one_f = jnp.ones((16,), jnp.float32)

    def step(off, carry):
        a_dp, a_np, a_iz, a_nz = carry
        ps = psrc_v[pl.ds(off, 16)]
        p = p_v[pl.ds(off, 16)]
        im = im_v[pl.ds(off, 16)]
        valid = (base + off + iota) >= start
        mpos = jnp.where(jnp.logical_and(ps > 0, valid), one_f, zero_f)
        mzero = jnp.where(jnp.logical_and(ps == 0, valid), one_f, zero_f)
        d = ps - p
        return (
            a_dp + d * d * mpos,
            a_np + mpos,
            a_iz + im * im * mzero,
            a_nz + mzero,
        )

    acc = (zero_f, zero_f, zero_f, zero_f)
    acc = plsc.parallel_loop(0, half, 16, unroll=2, carry=acc)(step)
    cpg1.wait()
    a_dp, a_np, a_iz, a_nz = plsc.parallel_loop(
        half, CHUNK, 16, unroll=2, carry=acc
    )(step)

    s_dp = jnp.sum(a_dp)
    s_np = jnp.sum(a_np)
    s_iz = jnp.sum(a_iz)
    s_nz = jnp.sum(a_nz)

    res = (
        jnp.where(iota == 0, s_dp, 0.0)
        + jnp.where(iota == 1, s_np, 0.0)
        + jnp.where(iota == 2, s_iz, 0.0)
        + jnp.where(iota == 3, s_nz, 0.0)
    )
    out_v[...] = res
    pltpu.sync_copy(out_v, shared.at[s])
    plsc.subcore_barrier()

    @pl.when(s == 0)
    def _():
        pltpu.sync_copy(shared, all_v)
        tot = all_v[0]
        for r in range(1, NS):
            tot = tot + all_v[r]
        out_v[...] = tot
        pltpu.sync_copy(out_v, part_hbm.at[c])


@jax.jit
def _partials(x_flat, p_flat, imbalance):
    mesh = plsc.VectorSubcoreMesh(
        core_axis_name="c", subcore_axis_name="s", num_cores=NC, num_subcores=NS
    )
    return pl.kernel(
        _body,
        out_type=jax.ShapeDtypeStruct((NC, 16), jnp.float32),
        mesh=mesh,
        scratch_types=[
            pltpu.VMEM((CHUNK,), jnp.int32),
            pltpu.VMEM((CHUNK,), jnp.float32),
            pltpu.VMEM((CHUNK,), jnp.float32),
            pltpu.VMEM((CHUNK,), jnp.float32),
            pltpu.VMEM((16,), jnp.float32),
            pltpu.VMEM_SHARED((NS, 16), jnp.float32),
            pltpu.VMEM((NS, 16), jnp.float32),
            pltpu.SemaphoreType.DMA,
            pltpu.SemaphoreType.DMA,
            pltpu.SemaphoreType.DMA,
        ],
        compiler_params=pltpu.CompilerParams(
            use_tc_tiling_on_sc=False, needs_layout_passes=False
        ),
    )(x_flat, p_flat, imbalance)


def kernel(x, P, imbalance):
    part = _partials(x.reshape(-1), P.reshape(-1), imbalance)
    sums = part[0] + part[1]
    pl_ = sums[0] / sums[1]
    ql = sums[2] / sums[3]
    return BETA * ql + (1.0 - BETA) * pl_

# --- scband reference (transcript-rebuilt; emitter-appended) ---
"""Pipeline reference for scband-hydraulics-loss-71347996721303 (READ-ONLY COPY).

The authoritative reference and input builder live on the scoring server;
editing this copy changes nothing except your own understanding.
"""

import jax, jax.numpy as jnp
import numpy as np


def setup_inputs(seed: int = 0) -> dict:
    key = jax.random.key(seed)
    k1, k2, k3 = jax.random.split(key, 3)
    N, D = 100000, 128
    x = jax.random.uniform(k1, (N, D), dtype=jnp.float32)
    # Emulate hydraulic network data: roughly half the nodes are non-source
    # nodes whose source-pressure feature (last column) is exactly 0, the
    # rest have strictly positive source pressure. This keeps both branches
    # (psrc > 0 and psrc == 0) non-empty, as in real data.
    x = x.at[::2, -1].set(0.0)
    P = jax.random.normal(k2, (N, 1), dtype=jnp.float32)
    imbalance = jax.random.normal(k3, (N,), dtype=jnp.float32)
    return {"x": x, "P": P, "imbalance": imbalance}


def reference(x, P, imbalance):
    # psrc = data.x[..., -1]
    psrc = x[..., -1]
    # sidx = where(psrc > 0); snidx = where(psrc == 0)
    mask_pos = (psrc > 0).astype(jnp.float32)
    mask_zero = (psrc == 0).astype(jnp.float32)
    # pl = MSELoss()(psrc[sidx], P.view(-1)[sidx])  -> masked mean of squared diff
    diff = psrc - P.reshape(-1)
    pl = jnp.sum(diff * diff * mask_pos) / jnp.sum(mask_pos)
    # ql = square(imbalance[snidx]).mean()  -> masked mean of squared imbalance
    ql = jnp.sum(imbalance * imbalance * mask_zero) / jnp.sum(mask_zero)
    beta = 1.0
    return beta * ql + (1.0 - beta) * pl

if __name__ == "__main__":
    import jax
    _d = setup_inputs()
    print(jax.jit(kernel)(*tuple(_d.values())))

</pallas_src>

<mosaic_0001>
#map = affine_map<(d0, d1) -> (0)>
#map1 = affine_map<(d0, d1) -> (0, 0)>
module attributes {stable_mosaic.version = 14 : i64} {
  func.func @_body(%arg0: i32, %arg1: i32, %arg2: memref<12800000xf32, #tpu.memory_space<hbm>>, %arg3: memref<100000xf32, #tpu.memory_space<hbm>>, %arg4: memref<100000xf32, #tpu.memory_space<hbm>>, %arg5: memref<2x16xf32, #tpu.memory_space<hbm>>, %arg6: memref<3136xi32, #tpu.memory_space<vmem>>, %arg7: memref<3136xf32, #tpu.memory_space<vmem>>, %arg8: memref<3136xf32, #tpu.memory_space<vmem>>, %arg9: memref<3136xf32, #tpu.memory_space<vmem>>, %arg10: memref<16xf32, #tpu.memory_space<vmem>>, %arg11: memref<16x16xf32, #tpu.memory_space<vmem_shared>>, %arg12: memref<16x16xf32, #tpu.memory_space<vmem>>, %arg13: memref<!tpu.dma_semaphore, #tpu.memory_space<semaphore_mem>>, %arg14: memref<!tpu.dma_semaphore, #tpu.memory_space<semaphore_mem>>, %arg15: memref<!tpu.dma_semaphore, #tpu.memory_space<semaphore_mem>>) attributes {dimension_semantics = [#tpu.dimension_semantics<core_parallel>, #tpu.dimension_semantics<subcore_parallel>], iteration_bounds = array<i64: 2, 16>, scalar_prefetch = 0 : i64, scratch_operands = 10 : i64, tpu.core_type = #tpu.core_type<sc_vector_subcore>, window_params = [{transform_indices = #map}, {transform_indices = #map}, {transform_indices = #map}, {transform_indices = #map1}]} {
    %mul3A = arith.constant 2 : i32
    %mul3A_0 = arith.muli %arg1, %mul3A : i32
    %add3A = arith.addi %mul3A_0, %arg0 : i32
    %mul3A_1 = arith.constant 3136 : i32
    %mul3A_2 = arith.muli %add3A, %mul3A_1 : i32
    %min3A = arith.constant 96864 : i32
    %min3A_3 = arith.minsi %mul3A_2, %min3A : i32
    %dma_start3A = tpu.memref_slice %arg3[%min3A_3] : memref<100000xf32, #tpu.memory_space<hbm>> -> memref<3136xf32, #tpu.memory_space<hbm>>
    %dma_start3A_4 = tpu.memref_slice %arg3[%min3A_3] : memref<100000xf32, #tpu.memory_space<hbm>> -> memref<3136xf32, #tpu.memory_space<hbm>>
    tpu.enqueue_dma source(%dma_start3A_4 : memref<3136xf32, #tpu.memory_space<hbm>>) target(%arg8 : memref<3136xf32, #tpu.memory_space<vmem>>) target_semaphore(%arg13 : memref<!tpu.dma_semaphore, #tpu.memory_space<semaphore_mem>>)
    %dma_start3A_5 = tpu.memref_slice %arg4[%min3A_3] : memref<100000xf32, #tpu.memory_space<hbm>> -> memref<3136xf32, #tpu.memory_space<hbm>>
    %dma_start3A_6 = tpu.memref_slice %arg4[%min3A_3] : memref<100000xf32, #tpu.memory_space<hbm>> -> memref<3136xf32, #tpu.memory_space<hbm>>
    tpu.enqueue_dma source(%dma_start3A_6 : memref<3136xf32, #tpu.memory_space<hbm>>) target(%arg9 : memref<3136xf32, #tpu.memory_space<vmem>>) target_semaphore(%arg13 : memref<!tpu.dma_semaphore, #tpu.memory_space<semaphore_mem>>)
    %iota3A = tpu.iota {dimensions = array<i32: 0>} : vector<16xi32>
    %parallel_loop3A = arith.constant 0 : i32
    %parallel_loop3A_7 = arith.constant 1568 : i32
    %parallel_loop3A_8 = arith.constant 16 : i32
    scf.for %parallel_loop3A_97 = %parallel_loop3A to %parallel_loop3A_7 step %parallel_loop3A_8  : i32 {
      %parallel_loop3A_98 = arith.addi %min3A_3, %parallel_loop3A_97 : i32
      %parallel_loop3A_99 = vector.broadcast %parallel_loop3A_98 : i32 to vector<16xi32>
      %parallel_loop3A_100 = arith.addi %parallel_loop3A_99, %iota3A : vector<16xi32>
      %parallel_loop3A_101 = arith.constant 128 : i32
      %parallel_loop3A_102 = vector.broadcast %parallel_loop3A_101 : i32 to vector<16xi32>
      %parallel_loop3A_103 = arith.muli %parallel_loop3A_100, %parallel_loop3A_102 : vector<16xi32>
      %parallel_loop3A_104 = arith.constant 127 : i32
      %parallel_loop3A_105 = vector.broadcast %parallel_loop3A_104 : i32 to vector<16xi32>
      %parallel_loop3A_106 = arith.addi %parallel_loop3A_103, %parallel_loop3A_105 : vector<16xi32>
      %parallel_loop3A_107 = arith.index_cast %parallel_loop3A_97 : i32 to index
      %parallel_loop3A_108 = tpu.vector_load %arg6[%parallel_loop3A_107] {strides = array<i32>} : memref<3136xi32, #tpu.memory_space<vmem>>, vector<16xi32>,
      tpu.vector_store %arg6[%parallel_loop3A_107], %parallel_loop3A_106 {strides = array<i32>} : memref<3136xi32, #tpu.memory_space<vmem>>, vector<16xi32>,
    } {sc.loop_unroll_factor = 2 : i64, sc.parallel_access}
    %dma_start3A_9 = arith.constant 0 : i32
    %dma_start3A_10 = tpu.memref_slice %arg7[%dma_start3A_9] : memref<3136xf32, #tpu.memory_space<vmem>> -> memref<1568xf32, #tpu.memory_space<vmem>>
    %dma_start3A_11 = arith.constant 0 : i32
    %dma_start3A_12 = tpu.memref_slice %arg6[%dma_start3A_11] : memref<3136xi32, #tpu.memory_space<vmem>> -> memref<1568xi32, #tpu.memory_space<vmem>>
    %dma_start3A_13 = arith.constant 0 : i32
    %dma_start3A_14 = tpu.memref_slice %arg2[%dma_start3A_13] : memref<12800000xf32, #tpu.memory_space<hbm>> -> memref<12800000xf32, #tpu.memory_space<hbm>>
    tpu.enqueue_indirect_dma source(%dma_start3A_14 : memref<12800000xf32, #tpu.memory_space<hbm>>) target(%dma_start3A_10 : memref<1568xf32, #tpu.memory_space<vmem>>) offsets(%dma_start3A_12 : memref<1568xi32, #tpu.memory_space<vmem>>) semaphore(%arg14 : memref<!tpu.dma_semaphore, #tpu.memory_space<semaphore_mem>>)
    %parallel_loop3A_15 = arith.constant 1568 : i32
    %parallel_loop3A_16 = arith.constant 3136 : i32
    %parallel_loop3A_17 = arith.constant 16 : i32
    scf.for %parallel_loop3A_97 = %parallel_loop3A_15 to %parallel_loop3A_16 step %parallel_loop3A_17  : i32 {
      %parallel_loop3A_98 = arith.addi %min3A_3, %parallel_loop3A_97 : i32
      %parallel_loop3A_99 = vector.broadcast %parallel_loop3A_98 : i32 to vector<16xi32>
      %parallel_loop3A_100 = arith.addi %parallel_loop3A_99, %iota3A : vector<16xi32>
      %parallel_loop3A_101 = arith.constant 128 : i32
      %parallel_loop3A_102 = vector.broadcast %parallel_loop3A_101 : i32 to vector<16xi32>
      %parallel_loop3A_103 = arith.muli %parallel_loop3A_100, %parallel_loop3A_102 : vector<16xi32>
      %parallel_loop3A_104 = arith.constant 127 : i32
      %parallel_loop3A_105 = vector.broadcast %parallel_loop3A_104 : i32 to vector<16xi32>
      %parallel_loop3A_106 = arith.addi %parallel_loop3A_103, %parallel_loop3A_105 : vector<16xi32>
      %parallel_loop3A_107 = arith.index_cast %parallel_loop3A_97 : i32 to index
      %parallel_loop3A_108 = tpu.vector_load %arg6[%parallel_loop3A_107] {strides = array<i32>} : memref<3136xi32, #tpu.memory_space<vmem>>, vector<16xi32>,
      tpu.vector_store %arg6[%parallel_loop3A_107], %parallel_loop3A_106 {strides = array<i32>} : memref<3136xi32, #tpu.memory_space<vmem>>, vector<16xi32>,
    } {sc.loop_unroll_factor = 2 : i64, sc.parallel_access}
    %dma_start3A_18 = arith.constant 1568 : i32
    %dma_start3A_19 = tpu.memref_slice %arg7[%dma_start3A_18] : memref<3136xf32, #tpu.memory_space<vmem>> -> memref<1568xf32, #tpu.memory_space<vmem>>
    %dma_start3A_20 = arith.constant 1568 : i32
    %dma_start3A_21 = tpu.memref_slice %arg6[%dma_start3A_20] : memref<3136xi32, #tpu.memory_space<vmem>> -> memref<1568xi32, #tpu.memory_space<vmem>>
    %dma_start3A_22 = arith.constant 0 : i32
    %dma_start3A_23 = tpu.memref_slice %arg2[%dma_start3A_22] : memref<12800000xf32, #tpu.memory_space<hbm>> -> memref<12800000xf32, #tpu.memory_space<hbm>>
    tpu.enqueue_indirect_dma source(%dma_start3A_23 : memref<12800000xf32, #tpu.memory_space<hbm>>) target(%dma_start3A_19 : memref<1568xf32, #tpu.memory_space<vmem>>) offsets(%dma_start3A_21 : memref<1568xi32, #tpu.memory_space<vmem>>) semaphore(%arg15 : memref<!tpu.dma_semaphore, #tpu.memory_space<semaphore_mem>>)
    %dma_wait3A = arith.constant 0 : i32
    %dma_wait3A_24 = tpu.memref_slice %arg7[%dma_wait3A] : memref<3136xf32, #tpu.memory_space<vmem>> -> memref<1568xf32, #tpu.memory_space<vmem>>
    %dma_wait3A_25 = arith.constant 0 : i32
    %dma_wait3A_26 = tpu.memref_slice %arg6[%dma_wait3A_25] : memref<3136xi32, #tpu.memory_space<vmem>> -> memref<1568xi32, #tpu.memory_space<vmem>>
    %dma_wait3A_27 = arith.constant 0 : i32
    %dma_wait3A_28 = tpu.memref_slice %arg2[%dma_wait3A_27] : memref<12800000xf32, #tpu.memory_space<hbm>> -> memref<12800000xf32, #tpu.memory_space<hbm>>
    tpu.wait_indirect_dma semaphore(%arg14 : memref<!tpu.dma_semaphore, #tpu.memory_space<semaphore_mem>>) src(%dma_wait3A_28 : memref<12800000xf32, #tpu.memory_space<hbm>>) dst(%dma_wait3A_24 : memref<1568xf32, #tpu.memory_space<vmem>>)
    %dma_wait3A_29 = tpu.memref_slice %arg3[%min3A_3] : memref<100000xf32, #tpu.memory_space<hbm>> -> memref<3136xf32, #tpu.memory_space<hbm>>
    %dma_wait3A_30 = tpu.memref_slice %arg3[%min3A_3] : memref<100000xf32, #tpu.memory_space<hbm>> -> memref<3136xf32, #tpu.memory_space<hbm>>
    tpu.wait_dma2 semaphore(%arg13 : memref<!tpu.dma_semaphore, #tpu.memory_space<semaphore_mem>>) src(%dma_wait3A_30 : memref<3136xf32, #tpu.memory_space<hbm>>) dst(%arg8 : memref<3136xf32, #tpu.memory_space<vmem>>)
    %dma_wait3A_31 = tpu.memref_slice %arg4[%min3A_3] : memref<100000xf32, #tpu.memory_space<hbm>> -> memref<3136xf32, #tpu.memory_space<hbm>>
    %dma_wait3A_32 = tpu.memref_slice %arg4[%min3A_3] : memref<100000xf32, #tpu.memory_space<hbm>> -> memref<3136xf32, #tpu.memory_space<hbm>>
    tpu.wait_dma2 semaphore(%arg13 : memref<!tpu.dma_semaphore, #tpu.memory_space<semaphore_mem>>) src(%dma_wait3A_32 : memref<3136xf32, #tpu.memory_space<hbm>>) dst(%arg9 : memref<3136xf32, #tpu.memory_space<vmem>>)
    %broadcast_in_dim3A = arith.constant 0.000000e+00 : f32
    %broadcast_in_dim3A_33 = vector.broadcast %broadcast_in_dim3A : f32 to vector<16xf32>
    %broadcast_in_dim3A_34 = arith.constant 1.000000e+00 : f32
    %broadcast_in_dim3A_35 = vector.broadcast %broadcast_in_dim3A_34 : f32 to vector<16xf32>
    %parallel_loop3A_36 = arith.constant 0 : i32
    %parallel_loop3A_37 = arith.constant 1568 : i32
    %parallel_loop3A_38 = arith.constant 16 : i32
    %parallel_loop3A_39:4 = scf.for %parallel_loop3A_97 = %parallel_loop3A_36 to %parallel_loop3A_37 step %parallel_loop3A_38 iter_args(%parallel_loop3A_98 = %broadcast_in_dim3A_33, %parallel_loop3A_99 = %broadcast_in_dim3A_33, %parallel_loop3A_100 = %broadcast_in_dim3A_33, %parallel_loop3A_101 = %broadcast_in_dim3A_33) -> (vector<16xf32>, vector<16xf32>, vector<16xf32>, vector<16xf32>)  : i32 {
      %parallel_loop3A_102 = arith.index_cast %parallel_loop3A_97 : i32 to index
      %parallel_loop3A_103 = tpu.vector_load %arg7[%parallel_loop3A_102] {strides = array<i32>} : memref<3136xf32, #tpu.memory_space<vmem>>, vector<16xf32>,
      %parallel_loop3A_104 = arith.index_cast %parallel_loop3A_97 : i32 to index
      %parallel_loop3A_105 = tpu.vector_load %arg8[%parallel_loop3A_104] {strides = array<i32>} : memref<3136xf32, #tpu.memory_space<vmem>>, vector<16xf32>,
      %parallel_loop3A_106 = arith.index_cast %parallel_loop3A_97 : i32 to index
      %parallel_loop3A_107 = tpu.vector_load %arg9[%parallel_loop3A_106] {strides = array<i32>} : memref<3136xf32, #tpu.memory_space<vmem>>, vector<16xf32>,
      %parallel_loop3A_108 = arith.addi %min3A_3, %parallel_loop3A_97 : i32
      %parallel_loop3A_109 = vector.broadcast %parallel_loop3A_108 : i32 to vector<16xi32>
      %parallel_loop3A_110 = arith.addi %parallel_loop3A_109, %iota3A : vector<16xi32>
      %parallel_loop3A_111 = vector.broadcast %mul3A_2 : i32 to vector<16xi32>
      %parallel_loop3A_112 = arith.cmpi sge, %parallel_loop3A_110, %parallel_loop3A_111 : vector<16xi32>
      %parallel_loop3A_113 = arith.constant 0.000000e+00 : f32
      %parallel_loop3A_114 = vector.broadcast %parallel_loop3A_113 : f32 to vector<16xf32>
      %parallel_loop3A_115 = arith.cmpf ogt, %parallel_loop3A_103, %parallel_loop3A_114 : vector<16xf32>
      %parallel_loop3A_116 = arith.andi %parallel_loop3A_115, %parallel_loop3A_112 : vector<16xi1>
      %parallel_loop3A_117 = arith.select %parallel_loop3A_116, %broadcast_in_dim3A_35, %broadcast_in_dim3A_33 : vector<16xi1>, vector<16xf32>
      %parallel_loop3A_118 = arith.constant 0.000000e+00 : f32
      %parallel_loop3A_119 = vector.broadcast %parallel_loop3A_118 : f32 to vector<16xf32>
      %parallel_loop3A_120 = arith.cmpf oeq, %parallel_loop3A_103, %parallel_loop3A_119 : vector<16xf32>
      %parallel_loop3A_121 = arith.andi %parallel_loop3A_120, %parallel_loop3A_112 : vector<16xi1>
      %parallel_loop3A_122 = arith.select %parallel_loop3A_121, %broadcast_in_dim3A_35, %broadcast_in_dim3A_33 : vector<16xi1>, vector<16xf32>
      %parallel_loop3A_123 = arith.subf %parallel_loop3A_103, %parallel_loop3A_105 : vector<16xf32>
      %parallel_loop3A_124 = arith.mulf %parallel_loop3A_123, %parallel_loop3A_123 : vector<16xf32>
      %parallel_loop3A_125 = arith.mulf %parallel_loop3A_124, %parallel_loop3A_117 : vector<16xf32>
      %parallel_loop3A_126 = arith.addf %parallel_loop3A_98, %parallel_loop3A_125 : vector<16xf32>
      %parallel_loop3A_127 = arith.addf %parallel_loop3A_99, %parallel_loop3A_117 : vector<16xf32>
      %parallel_loop3A_128 = arith.mulf %parallel_loop3A_107, %parallel_loop3A_107 : vector<16xf32>
      %parallel_loop3A_129 = arith.mulf %parallel_loop3A_128, %parallel_loop3A_122 : vector<16xf32>
      %parallel_loop3A_130 = arith.addf %parallel_loop3A_100, %parallel_loop3A_129 : vector<16xf32>
      %parallel_loop3A_131 = arith.addf %parallel_loop3A_101, %parallel_loop3A_122 : vector<16xf32>
      scf.yield %parallel_loop3A_126, %parallel_loop3A_127, %parallel_loop3A_130, %parallel_loop3A_131 : vector<16xf32>, vector<16xf32>, vector<16xf32>, vector<16xf32>
    } {sc.loop_unroll_factor = 2 : i64, sc.parallel_access}
    %dma_wait3A_40 = arith.constant 1568 : i32
    %dma_wait3A_41 = tpu.memref_slice %arg7[%dma_wait3A_40] : memref<3136xf32, #tpu.memory_space<vmem>> -> memref<1568xf32, #tpu.memory_space<vmem>>
    %dma_wait3A_42 = arith.constant 1568 : i32
    %dma_wait3A_43 = tpu.memref_slice %arg6[%dma_wait3A_42] : memref<3136xi32, #tpu.memory_space<vmem>> -> memref<1568xi32, #tpu.memory_space<vmem>>
    %dma_wait3A_44 = arith.constant 0 : i32
    %dma_wait3A_45 = tpu.memref_slice %arg2[%dma_wait3A_44] : memref<12800000xf32, #tpu.memory_space<hbm>> -> memref<12800000xf32, #tpu.memory_space<hbm>>
    tpu.wait_indirect_dma semaphore(%arg15 : memref<!tpu.dma_semaphore, #tpu.memory_space<semaphore_mem>>) src(%dma_wait3A_45 : memref<12800000xf32, #tpu.memory_space<hbm>>) dst(%dma_wait3A_41 : memref<1568xf32, #tpu.memory_space<vmem>>)
    %parallel_loop3A_46 = arith.constant 1568 : i32
    %parallel_loop3A_47 = arith.constant 3136 : i32
    %parallel_loop3A_48 = arith.constant 16 : i32
    %parallel_loop3A_49:4 = scf.for %parallel_loop3A_97 = %parallel_loop3A_46 to %parallel_loop3A_47 step %parallel_loop3A_48 iter_args(%parallel_loop3A_98 = %parallel_loop3A_39#0, %parallel_loop3A_99 = %parallel_loop3A_39#1, %parallel_loop3A_100 = %parallel_loop3A_39#2, %parallel_loop3A_101 = %parallel_loop3A_39#3) -> (vector<16xf32>, vector<16xf32>, vector<16xf32>, vector<16xf32>)  : i32 {
      %parallel_loop3A_102 = arith.index_cast %parallel_loop3A_97 : i32 to index
      %parallel_loop3A_103 = tpu.vector_load %arg7[%parallel_loop3A_102] {strides = array<i32>} : memref<3136xf32, #tpu.memory_space<vmem>>, vector<16xf32>,
      %parallel_loop3A_104 = arith.index_cast %parallel_loop3A_97 : i32 to index
      %parallel_loop3A_105 = tpu.vector_load %arg8[%parallel_loop3A_104] {strides = array<i32>} : memref<3136xf32, #tpu.memory_space<vmem>>, vector<16xf32>,
      %parallel_loop3A_106 = arith.index_cast %parallel_loop3A_97 : i32 to index
      %parallel_loop3A_107 = tpu.vector_load %arg9[%parallel_loop3A_106] {strides = array<i32>} : memref<3136xf32, #tpu.memory_space<vmem>>, vector<16xf32>,
      %parallel_loop3A_108 = arith.addi %min3A_3, %parallel_loop3A_97 : i32
      %parallel_loop3A_109 = vector.broadcast %parallel_loop3A_108 : i32 to vector<16xi32>
      %parallel_loop3A_110 = arith.addi %parallel_loop3A_109, %iota3A : vector<16xi32>
      %parallel_loop3A_111 = vector.broadcast %mul3A_2 : i32 to vector<16xi32>
      %parallel_loop3A_112 = arith.cmpi sge, %parallel_loop3A_110, %parallel_loop3A_111 : vector<16xi32>
      %parallel_loop3A_113 = arith.constant 0.000000e+00 : f32
      %parallel_loop3A_114 = vector.broadcast %parallel_loop3A_113 : f32 to vector<16xf32>
      %parallel_loop3A_115 = arith.cmpf ogt, %parallel_loop3A_103, %parallel_loop3A_114 : vector<16xf32>
      %parallel_loop3A_116 = arith.andi %parallel_loop3A_115, %parallel_loop3A_112 : vector<16xi1>
      %parallel_loop3A_117 = arith.select %parallel_loop3A_116, %broadcast_in_dim3A_35, %broadcast_in_dim3A_33 : vector<16xi1>, vector<16xf32>
      %parallel_loop3A_118 = arith.constant 0.000000e+00 : f32
      %parallel_loop3A_119 = vector.broadcast %parallel_loop3A_118 : f32 to vector<16xf32>
      %parallel_loop3A_120 = arith.cmpf oeq, %parallel_loop3A_103, %parallel_loop3A_119 : vector<16xf32>
      %parallel_loop3A_121 = arith.andi %parallel_loop3A_120, %parallel_loop3A_112 : vector<16xi1>
      %parallel_loop3A_122 = arith.select %parallel_loop3A_121, %broadcast_in_dim3A_35, %broadcast_in_dim3A_33 : vector<16xi1>, vector<16xf32>
      %parallel_loop3A_123 = arith.subf %parallel_loop3A_103, %parallel_loop3A_105 : vector<16xf32>
      %parallel_loop3A_124 = arith.mulf %parallel_loop3A_123, %parallel_loop3A_123 : vector<16xf32>
      %parallel_loop3A_125 = arith.mulf %parallel_loop3A_124, %parallel_loop3A_117 : vector<16xf32>
      %parallel_loop3A_126 = arith.addf %parallel_loop3A_98, %parallel_loop3A_125 : vector<16xf32>
      %parallel_loop3A_127 = arith.addf %parallel_loop3A_99, %parallel_loop3A_117 : vector<16xf32>
      %parallel_loop3A_128 = arith.mulf %parallel_loop3A_107, %parallel_loop3A_107 : vector<16xf32>
      %parallel_loop3A_129 = arith.mulf %parallel_loop3A_128, %parallel_loop3A_122 : vector<16xf32>
      %parallel_loop3A_130 = arith.addf %parallel_loop3A_100, %parallel_loop3A_129 : vector<16xf32>
      %parallel_loop3A_131 = arith.addf %parallel_loop3A_101, %parallel_loop3A_122 : vector<16xf32>
      scf.yield %parallel_loop3A_126, %parallel_loop3A_127, %parallel_loop3A_130, %parallel_loop3A_131 : vector<16xf32>, vector<16xf32>, vector<16xf32>, vector<16xf32>
    } {sc.loop_unroll_factor = 2 : i64, sc.parallel_access}
    %reduce_sum3A = arith.constant true
    %reduce_sum3A_50 = vector.broadcast %reduce_sum3A : i1 to vector<16xi1>
    %reduce_sum3A_51 = tpu.scan <sum>, %parallel_loop3A_49#0 masked %reduce_sum3A_50 : vector<16xf32>, vector<16xi1> -> vector<16xf32>
    %reduce_sum3A_52 = vector.extract %reduce_sum3A_51[15] : f32 from vector<16xf32>
    %reduce_sum3A_53 = arith.constant true
    %reduce_sum3A_54 = vector.broadcast %reduce_sum3A_53 : i1 to vector<16xi1>
    %reduce_sum3A_55 = tpu.scan <sum>, %parallel_loop3A_49#1 masked %reduce_sum3A_54 : vector<16xf32>, vector<16xi1> -> vector<16xf32>
    %reduce_sum3A_56 = vector.extract %reduce_sum3A_55[15] : f32 from vector<16xf32>
    %reduce_sum3A_57 = arith.constant true
    %reduce_sum3A_58 = vector.broadcast %reduce_sum3A_57 : i1 to vector<16xi1>
    %reduce_sum3A_59 = tpu.scan <sum>, %parallel_loop3A_49#2 masked %reduce_sum3A_58 : vector<16xf32>, vector<16xi1> -> vector<16xf32>
    %reduce_sum3A_60 = vector.extract %reduce_sum3A_59[15] : f32 from vector<16xf32>
    %reduce_sum3A_61 = arith.constant true
    %reduce_sum3A_62 = vector.broadcast %reduce_sum3A_61 : i1 to vector<16xi1>
    %reduce_sum3A_63 = tpu.scan <sum>, %parallel_loop3A_49#3 masked %reduce_sum3A_62 : vector<16xf32>, vector<16xi1> -> vector<16xf32>
    %reduce_sum3A_64 = vector.extract %reduce_sum3A_63[15] : f32 from vector<16xf32>
    %eq3A = arith.constant 0 : i32
    %eq3A_65 = vector.broadcast %eq3A : i32 to vector<16xi32>
    %eq3A_66 = arith.cmpi eq, %iota3A, %eq3A_65 : vector<16xi32>
    %jit3A = arith.constant 0.000000e+00 : f32
    %broadcast_in_dim3A_67 = vector.broadcast %reduce_sum3A_52 : f32 to vector<16xf32>
    %broadcast_in_dim3A_68 = vector.broadcast %jit3A : f32 to vector<16xf32>
    %select_n3A = arith.select %eq3A_66, %broadcast_in_dim3A_67, %broadcast_in_dim3A_68 : vector<16xi1>, vector<16xf32>
    %eq3A_69 = arith.constant 1 : i32
    %eq3A_70 = vector.broadcast %eq3A_69 : i32 to vector<16xi32>
    %eq3A_71 = arith.cmpi eq, %iota3A, %eq3A_70 : vector<16xi32>
    %jit3A_72 = arith.constant 0.000000e+00 : f32
    %broadcast_in_dim3A_73 = vector.broadcast %reduce_sum3A_56 : f32 to vector<16xf32>
    %broadcast_in_dim3A_74 = vector.broadcast %jit3A_72 : f32 to vector<16xf32>
    %select_n3A_75 = arith.select %eq3A_71, %broadcast_in_dim3A_73, %broadcast_in_dim3A_74 : vector<16xi1>, vector<16xf32>
    %add3A_76 = arith.addf %select_n3A, %select_n3A_75 : vector<16xf32>
    %eq3A_77 = arith.constant 2 : i32
    %eq3A_78 = vector.broadcast %eq3A_77 : i32 to vector<16xi32>
    %eq3A_79 = arith.cmpi eq, %iota3A, %eq3A_78 : vector<16xi32>
    %jit3A_80 = arith.constant 0.000000e+00 : f32
    %broadcast_in_dim3A_81 = vector.broadcast %reduce_sum3A_60 : f32 to vector<16xf32>
    %broadcast_in_dim3A_82 = vector.broadcast %jit3A_80 : f32 to vector<16xf32>
    %select_n3A_83 = arith.select %eq3A_79, %broadcast_in_dim3A_81, %broadcast_in_dim3A_82 : vector<16xi1>, vector<16xf32>
    %add3A_84 = arith.addf %add3A_76, %select_n3A_83 : vector<16xf32>
    %eq3A_85 = arith.constant 3 : i32
    %eq3A_86 = vector.broadcast %eq3A_85 : i32 to vector<16xi32>
    %eq3A_87 = arith.cmpi eq, %iota3A, %eq3A_86 : vector<16xi32>
    %jit3A_88 = arith.constant 0.000000e+00 : f32
    %broadcast_in_dim3A_89 = vector.broadcast %reduce_sum3A_64 : f32 to vector<16xf32>
    %broadcast_in_dim3A_90 = vector.broadcast %jit3A_88 : f32 to vector<16xf32>
    %select_n3A_91 = arith.select %eq3A_87, %broadcast_in_dim3A_89, %broadcast_in_dim3A_90 : vector<16xi1>, vector<16xf32>
    %add3A_92 = arith.addf %add3A_84, %select_n3A_91 : vector<16xf32>
    %swap3A = arith.constant 0 : index
    %swap3A_93 = tpu.vector_load %arg10[%swap3A] {strides = array<i32>} : memref<16xf32, #tpu.memory_space<vmem>>, vector<16xf32>,
    tpu.vector_store %arg10[%swap3A], %add3A_92 {strides = array<i32>} : memref<16xf32, #tpu.memory_space<vmem>>, vector<16xf32>,
    "tpu.region"() ({
      %run_scoped3A = tpu.sem_alloc : memref<!tpu.dma_semaphore, #tpu.memory_space<semaphore_mem>>
      %dma_start3A_97 = arith.constant 0 : i32
      %dma_start3A_98 = tpu.memref_slice %arg11[%arg1, %dma_start3A_97] : memref<16x16xf32, #tpu.memory_space<vmem_shared>> -> memref<1x16xf32, #tpu.memory_space<vmem_shared>>
      %dma_start3A_99 = tpu.memref_squeeze %dma_start3A_98 : memref<1x16xf32, #tpu.memory_space<vmem_shared>> -> memref<16xf32, #tpu.memory_space<vmem_shared>>
      %dma_start3A_100 = arith.constant 0 : i32
      %dma_start3A_101 = tpu.memref_slice %arg11[%arg1, %dma_start3A_100] : memref<16x16xf32, #tpu.memory_space<vmem_shared>> -> memref<1x16xf32, #tpu.memory_space<vmem_shared>>
      %dma_start3A_102 = tpu.memref_squeeze %dma_start3A_101 : memref<1x16xf32, #tpu.memory_space<vmem_shared>> -> memref<16xf32, #tpu.memory_space<vmem_shared>>
      tpu.enqueue_dma source(%arg10 : memref<16xf32, #tpu.memory_space<vmem>>) target(%dma_start3A_102 : memref<16xf32, #tpu.memory_space<vmem_shared>>) target_semaphore(%run_scoped3A : memref<!tpu.dma_semaphore, #tpu.memory_space<semaphore_mem>>)
      %dma_wait3A_103 = arith.constant 0 : i32
      %dma_wait3A_104 = tpu.memref_slice %arg11[%arg1, %dma_wait3A_103] : memref<16x16xf32, #tpu.memory_space<vmem_shared>> -> memref<1x16xf32, #tpu.memory_space<vmem_shared>>
      %dma_wait3A_105 = tpu.memref_squeeze %dma_wait3A_104 : memref<1x16xf32, #tpu.memory_space<vmem_shared>> -> memref<16xf32, #tpu.memory_space<vmem_shared>>
      %dma_wait3A_106 = arith.constant 0 : i32
      %dma_wait3A_107 = tpu.memref_slice %arg11[%arg1, %dma_wait3A_106] : memref<16x16xf32, #tpu.memory_space<vmem_shared>> -> memref<1x16xf32, #tpu.memory_space<vmem_shared>>
      %dma_wait3A_108 = tpu.memref_squeeze %dma_wait3A_107 : memref<1x16xf32, #tpu.memory_space<vmem_shared>> -> memref<16xf32, #tpu.memory_space<vmem_shared>>
      tpu.wait_dma2 semaphore(%run_scoped3A : memref<!tpu.dma_semaphore, #tpu.memory_space<semaphore_mem>>) src(%arg10 : memref<16xf32, #tpu.memory_space<vmem>>) dst(%dma_wait3A_108 : memref<16xf32, #tpu.memory_space<vmem_shared>>)
      tpu.yield
    }) : () -> ()
    %barrier3A = arith.constant 0 : index
    tpu.barrier barrier_id(%barrier3A)
    %eq3A_94 = arith.constant 0 : i32
    %eq3A_95 = arith.cmpi eq, %arg1, %eq3A_94 : i32
    %convert_element_type3A = arith.extui %eq3A_95 : i1 to i32
    %cond3A = arith.constant 0 : i32
    %cond3A_96 = arith.cmpi ne, %convert_element_type3A, %cond3A : i32
    scf.if %cond3A_96 {
      "tpu.region"() ({
        %run_scoped3A = tpu.sem_alloc : memref<!tpu.dma_semaphore, #tpu.memory_space<semaphore_mem>>
        tpu.enqueue_dma source(%arg11 : memref<16x16xf32, #tpu.memory_space<vmem_shared>>) target(%arg12 : memref<16x16xf32, #tpu.memory_space<vmem>>) target_semaphore(%run_scoped3A : memref<!tpu.dma_semaphore, #tpu.memory_space<semaphore_mem>>)
        tpu.wait_dma2 semaphore(%run_scoped3A : memref<!tpu.dma_semaphore, #tpu.memory_space<semaphore_mem>>) src(%arg11 : memref<16x16xf32, #tpu.memory_space<vmem_shared>>) dst(%arg12 : memref<16x16xf32, #tpu.memory_space<vmem>>)
        tpu.yield
      }) : () -> ()
      %get3A = arith.constant 0 : i32
      %get3A_97 = arith.index_cast %get3A : i32 to index
      %get3A_98 = arith.constant 0 : index
      %get3A_99 = tpu.vector_load %arg12[%get3A_97, %get3A_98] {strides = array<i32>} : memref<16x16xf32, #tpu.memory_space<vmem>>, vector<16xf32>,
      %get3A_100 = arith.constant 1 : i32
      %get3A_101 = arith.index_cast %get3A_100 : i32 to index
      %get3A_102 = arith.constant 0 : index
      %get3A_103 = tpu.vector_load %arg12[%get3A_101, %get3A_102] {strides = array<i32>} : memref<16x16xf32, #tpu.memory_space<vmem>>, vector<16xf32>,
      %add3A_104 = arith.addf %get3A_99, %get3A_103 : vector<16xf32>
      %get3A_105 = arith.constant 2 : i32
      %get3A_106 = arith.index_cast %get3A_105 : i32 to index
      %get3A_107 = arith.constant 0 : index
      %get3A_108 = tpu.vector_load %arg12[%get3A_106, %get3A_107] {strides = array<i32>} : memref<16x16xf32, #tpu.memory_space<vmem>>, vector<16xf32>,
      %add3A_109 = arith.addf %add3A_104, %get3A_108 : vector<16xf32>
      %get3A_110 = arith.constant 3 : i32
      %get3A_111 = arith.index_cast %get3A_110 : i32 to index
      %get3A_112 = arith.constant 0 : index
      %get3A_113 = tpu.vector_load %arg12[%get3A_111, %get3A_112] {strides = array<i32>} : memref<16x16xf32, #tpu.memory_space<vmem>>, vector<16xf32>,
      %add3A_114 = arith.addf %add3A_109, %get3A_113 : vector<16xf32>
      %get3A_115 = arith.constant 4 : i32
      %get3A_116 = arith.index_cast %get3A_115 : i32 to index
      %get3A_117 = arith.constant 0 : index
      %get3A_118 = tpu.vector_load %arg12[%get3A_116, %get3A_117] {strides = array<i32>} : memref<16x16xf32, #tpu.memory_space<vmem>>, vector<16xf32>,
      %add3A_119 = arith.addf %add3A_114, %get3A_118 : vector<16xf32>
      %get3A_120 = arith.constant 5 : i32
      %get3A_121 = arith.index_cast %get3A_120 : i32 to index
      %get3A_122 = arith.constant 0 : index
      %get3A_123 = tpu.vector_load %arg12[%get3A_121, %get3A_122] {strides = array<i32>} : memref<16x16xf32, #tpu.memory_space<vmem>>, vector<16xf32>,
      %add3A_124 = arith.addf %add3A_119, %get3A_123 : vector<16xf32>
      %get3A_125 = arith.constant 6 : i32
      %get3A_126 = arith.index_cast %get3A_125 : i32 to index
      %get3A_127 = arith.constant 0 : index
      %get3A_128 = tpu.vector_load %arg12[%get3A_126, %get3A_127] {strides = array<i32>} : memref<16x16xf32, #tpu.memory_space<vmem>>, vector<16xf32>,
      %add3A_129 = arith.addf %add3A_124, %get3A_128 : vector<16xf32>
      %get3A_130 = arith.constant 7 : i32
      %get3A_131 = arith.index_cast %get3A_130 : i32 to index
      %get3A_132 = arith.constant 0 : index
      %get3A_133 = tpu.vector_load %arg12[%get3A_131, %get3A_132] {strides = array<i32>} : memref<16x16xf32, #tpu.memory_space<vmem>>, vector<16xf32>,
      %add3A_134 = arith.addf %add3A_129, %get3A_133 : vector<16xf32>
      %get3A_135 = arith.constant 8 : i32
      %get3A_136 = arith.index_cast %get3A_135 : i32 to index
      %get3A_137 = arith.constant 0 : index
      %get3A_138 = tpu.vector_load %arg12[%get3A_136, %get3A_137] {strides = array<i32>} : memref<16x16xf32, #tpu.memory_space<vmem>>, vector<16xf32>,
      %add3A_139 = arith.addf %add3A_134, %get3A_138 : vector<16xf32>
      %get3A_140 = arith.constant 9 : i32
      %get3A_141 = arith.index_cast %get3A_140 : i32 to index
      %get3A_142 = arith.constant 0 : index
      %get3A_143 = tpu.vector_load %arg12[%get3A_141, %get3A_142] {strides = array<i32>} : memref<16x16xf32, #tpu.memory_space<vmem>>, vector<16xf32>,
      %add3A_144 = arith.addf %add3A_139, %get3A_143 : vector<16xf32>
      %get3A_145 = arith.constant 10 : i32
      %get3A_146 = arith.index_cast %get3A_145 : i32 to index
      %get3A_147 = arith.constant 0 : index
      %get3A_148 = tpu.vector_load %arg12[%get3A_146, %get3A_147] {strides = array<i32>} : memref<16x16xf32, #tpu.memory_space<vmem>>, vector<16xf32>,
      %add3A_149 = arith.addf %add3A_144, %get3A_148 : vector<16xf32>
      %get3A_150 = arith.constant 11 : i32
      %get3A_151 = arith.index_cast %get3A_150 : i32 to index
      %get3A_152 = arith.constant 0 : index
      %get3A_153 = tpu.vector_load %arg12[%get3A_151, %get3A_152] {strides = array<i32>} : memref<16x16xf32, #tpu.memory_space<vmem>>, vector<16xf32>,
      %add3A_154 = arith.addf %add3A_149, %get3A_153 : vector<16xf32>
      %get3A_155 = arith.constant 12 : i32
      %get3A_156 = arith.index_cast %get3A_155 : i32 to index
      %get3A_157 = arith.constant 0 : index
      %get3A_158 = tpu.vector_load %arg12[%get3A_156, %get3A_157] {strides = array<i32>} : memref<16x16xf32, #tpu.memory_space<vmem>>, vector<16xf32>,
      %add3A_159 = arith.addf %add3A_154, %get3A_158 : vector<16xf32>
      %get3A_160 = arith.constant 13 : i32
      %get3A_161 = arith.index_cast %get3A_160 : i32 to index
      %get3A_162 = arith.constant 0 : index
      %get3A_163 = tpu.vector_load %arg12[%get3A_161, %get3A_162] {strides = array<i32>} : memref<16x16xf32, #tpu.memory_space<vmem>>, vector<16xf32>,
      %add3A_164 = arith.addf %add3A_159, %get3A_163 : vector<16xf32>
      %get3A_165 = arith.constant 14 : i32
      %get3A_166 = arith.index_cast %get3A_165 : i32 to index
      %get3A_167 = arith.constant 0 : index
      %get3A_168 = tpu.vector_load %arg12[%get3A_166, %get3A_167] {strides = array<i32>} : memref<16x16xf32, #tpu.memory_space<vmem>>, vector<16xf32>,
      %add3A_169 = arith.addf %add3A_164, %get3A_168 : vector<16xf32>
      %get3A_170 = arith.constant 15 : i32
      %get3A_171 = arith.index_cast %get3A_170 : i32 to index
      %get3A_172 = arith.constant 0 : index
      %get3A_173 = tpu.vector_load %arg12[%get3A_171, %get3A_172] {strides = array<i32>} : memref<16x16xf32, #tpu.memory_space<vmem>>, vector<16xf32>,
      %add3A_174 = arith.addf %add3A_169, %get3A_173 : vector<16xf32>
      %swap3A_175 = arith.constant 0 : index
      %swap3A_176 = tpu.vector_load %arg10[%swap3A_175] {strides = array<i32>} : memref<16xf32, #tpu.memory_space<vmem>>, vector<16xf32>,
      tpu.vector_store %arg10[%swap3A_175], %add3A_174 {strides = array<i32>} : memref<16xf32, #tpu.memory_space<vmem>>, vector<16xf32>,
      "tpu.region"() ({
        %run_scoped3A = tpu.sem_alloc : memref<!tpu.dma_semaphore, #tpu.memory_space<semaphore_mem>>
        %dma_start3A_177 = arith.constant 0 : i32
        %dma_start3A_178 = tpu.memref_slice %arg5[%arg0, %dma_start3A_177] : memref<2x16xf32, #tpu.memory_space<hbm>> -> memref<1x16xf32, #tpu.memory_space<hbm>>
        %dma_start3A_179 = tpu.memref_squeeze %dma_start3A_178 : memref<1x16xf32, #tpu.memory_space<hbm>> -> memref<16xf32, #tpu.memory_space<hbm>>
        %dma_start3A_180 = arith.constant 0 : i32
        %dma_start3A_181 = tpu.memref_slice %arg5[%arg0, %dma_start3A_180] : memref<2x16xf32, #tpu.memory_space<hbm>> -> memref<1x16xf32, #tpu.memory_space<hbm>>
        %dma_start3A_182 = tpu.memref_squeeze %dma_start3A_181 : memref<1x16xf32, #tpu.memory_space<hbm>> -> memref<16xf32, #tpu.memory_space<hbm>>
        tpu.enqueue_dma source(%arg10 : memref<16xf32, #tpu.memory_space<vmem>>) target(%dma_start3A_182 : memref<16xf32, #tpu.memory_space<hbm>>) target_semaphore(%run_scoped3A : memref<!tpu.dma_semaphore, #tpu.memory_space<semaphore_mem>>)
        %dma_wait3A_183 = arith.constant 0 : i32
        %dma_wait3A_184 = tpu.memref_slice %arg5[%arg0, %dma_wait3A_183] : memref<2x16xf32, #tpu.memory_space<hbm>> -> memref<1x16xf32, #tpu.memory_space<hbm>>
        %dma_wait3A_185 = tpu.memref_squeeze %dma_wait3A_184 : memref<1x16xf32, #tpu.memory_space<hbm>> -> memref<16xf32, #tpu.memory_space<hbm>>
        %dma_wait3A_186 = arith.constant 0 : i32
        %dma_wait3A_187 = tpu.memref_slice %arg5[%arg0, %dma_wait3A_186] : memref<2x16xf32, #tpu.memory_space<hbm>> -> memref<1x16xf32, #tpu.memory_space<hbm>>
        %dma_wait3A_188 = tpu.memref_squeeze %dma_wait3A_187 : memref<1x16xf32, #tpu.memory_space<hbm>> -> memref<16xf32, #tpu.memory_space<hbm>>
        tpu.wait_dma2 semaphore(%run_scoped3A : memref<!tpu.dma_semaphore, #tpu.memory_space<semaphore_mem>>) src(%arg10 : memref<16xf32, #tpu.memory_space<vmem>>) dst(%dma_wait3A_188 : memref<16xf32, #tpu.memory_space<hbm>>)
        tpu.yield
      }) : () -> ()
    } else {
    }
    return
  }
}

</mosaic_0001>

<sc_bundles>
// kernel: _partials.3.cloned.1.call-start
scs
__scs_entry_jumppad:
0x0: {  	(pc) =	sbr.rel $0x88, $3  }
0x1: {  	(tag) =	ssettag $0x0;
	lr =	simm.s32 $0x1  }
0x2: {  	[smem:$0x3F9E] =	sst lr;
	_ =	strace $0xD0000000  }
0x3: {  	_ = 	snop  }
0x4: {  	_ = 	snop  }
0x5: {  	_ = 	snop  }
0x6: {  	_ = 	snop  }
0x7: {  	_ = 	snop  }
__scs_overlays_trampoline_lowered:
0x8: {  	[smem:$0x3FAD] =	sst s0  }
0x9: {  	[smem:$0x3FAE] =	sst s1  }
0xa: {  	[smem:$0x3FAF] =	sst s2  }
0xb: {  	[smem:$0x3FB0] =	sst s3  }
0xc: {  	[smem:$0x3FB1] =	sst s4  }
0xd: {  	[smem:$0x3FB2] =	sst s5  }
0xe: {  	[smem:$0x3FB3] =	sst s6  }
0xf: {  	[smem:$0x3FB4] =	sst s7  }
0x10: {  	[smem:$0x3FB5] =	sst s8  }
0x11: {  	[smem:$0x3FB6] =	sst s9;
	s0 =	simm.s32 @!p0 $0x0  }
0x12: {  	s1 =	sld [smem:$0x3F9C];
	s0 =	simm.s32 @p0 $0x1  }
0x13: {  	[smem:$0x3FB7] =	sst s0;
	s0 =	simm.s32 @!p1 $0x0  }
0x14: {  	s2 =	sld [smem:$0x3F9B];
	s0 =	simm.s32 @p1 $0x1  }
0x15: {  	[smem:$0x3FB8] =	sst s0;
	s0 =	simm.s32 @!p2 $0x0  }
0x16: {  	s3 =	sld [smem:$0x3FDB];
	s0 =	simm.s32 @p2 $0x1  }
0x17: {  	s4 =	simm.s32 $0x1BF5;
	[smem:$0x3FBA] =	sst s0  }
0x18: {  	s0 =	sld [smem:$0x3F9D];
	_ =	swait.ge [sflag:s4], $0x0  }
0x19: {  	s7 =	sld [smem:$0x3F9E]  }
0x1a: {  	s8 =	sadd.s32 $0xFFFFE003, lr  }
0x1b: {  	s9 =	sadd.s32 $0xFFFFFEF7, lr;
	s5 =	simm.s32 $0xFFFFFFFF;
	p2 =	slt.u32 s8, $0xFFFFF086  }
0x1c: {  	p1 =	slt.u32 s9, $0xF7A;
	s5 =	simm.s32 @!p2 $0x0  }
0x1d: {  	s5 =	simm.s32 @p1 $0x1;
	p0 =	seq.s32 s7, s2  }
0x1e: {  	s7 =	smul.u32 @!p0 $0xF7A, s2;
	p2 =	seq.s32 @!p0 s5, $0x0  }
0x1f: {  	s9 =	smul.u32 $0xF7A, s1;
	s8 =	simm.s32 @!p0 $0x1BF5;
	p2 =	por !p2, p0  }
0x20: {  	[sflag:s8] =	ssyncset.s32 @!p0 $0xFFFFF086;
	s6 =	sadd.s32 @!p0 s3, s7;
	s7 =	simm.s32 @!p0 $0x108  }
0x21: {  	s3 =	sadd.s32 s3, s9;
	s6 =	sadd.s32 @!p0 $0x88, s6;
	s7 =	simm.s32 @p2 $0x1082  }
0x22: {  	[simem:s7], [sflag:s8] =	dma.local @!p0 [hbm:s6], $0xF7A  }
0x23: {  	s9 =	sor.u32 $0xD0000000, s2;
	s6 =	simm.s32 $0x108;
	_ =	swait.ge @!p0 [sflag:s8], $0x0  }
0x24: {  	s3 =	sadd.s32 $0x88, s3;
	s6 =	simm.s32 @!p1 $0x1082;
	[sflag:s4] =	ssyncset.s32 $0xFFFFF086  }
0x25: {  	[simem:s6], [sflag:s4] =	dma.local [hbm:s3], $0xF7A  }
0x26: {  	[smem:$0x3F9E] =	sst s1;
	(tag) =	ssettag s2;
	_ =	strace s9  }
0x27: {  	s1 =	sld [smem:$0x3FAE]  }
0x28: {  	s2 =	sld [smem:$0x3FAF]  }
0x29: {  	s4 =	sld [smem:$0x3FB1]  }
0x2a: {  	p0 =	seq.s32 s5, $0x0;
	s5 =	sld [smem:$0x3FB2]  }
0x2b: {  	s6 =	sld [smem:$0x3FB3]  }
0x2c: {  	s7 =	sld [smem:$0x3FB4]  }
0x2d: {  	s3 =	simm.s32 $0x108;
	s8 =	sld [smem:$0x3FB5]  }
0x2e: {  	s3 =	simm.s32 @!p0 $0x1082;
	s9 =	sld [smem:$0x3FB6]  }
0x2f: {  	lr =	sadd.s32 s0, s3;
	s0 =	sld [smem:$0x3FAD]  }
0x30: {  	s3 =	sld [smem:$0x3FB0]  }
0x31: {  	[smem:$0x3FB9] =	sst s10  }
0x32: {  	s10 =	sld [smem:$0x3FB7];
	_ =	sdelay $0x3  }
0x33: {  	p0 =	seq.s32 s10, $0x1;
	s10 =	sld [smem:$0x3FB9];
	_ =	sdelay $0x3  }
0x34: {  	[smem:$0x3FB9] =	sst s10  }
0x35: {  	s10 =	sld [smem:$0x3FB8];
	_ =	sdelay $0x3  }
0x36: {  	p1 =	seq.s32 s10, $0x1;
	s10 =	sld [smem:$0x3FB9];
	_ =	sdelay $0x3  }
0x37: {  	[smem:$0x3FB9] =	sst s10  }
0x38: {  	s10 =	sld [smem:$0x3FBA]  }
0x39: {  	_ = 	snop;
	(pc) =	sbr.ind lr, $3  }
0x3a: {  	_ = 	snop  }
0x3b: {  	_ = 	snop  }
0x3c: {  	p2 =	seq.s32 s10, $0x1;
	s10 =	sld [smem:$0x3FB9]  }
0x3d: {  	_ =	shalt  }
0x3e: {  	_ =	shalt  }
0x3f: {  	_ =	shalt  }
0x40: {  	_ =	shalt  }
0x41: {  	_ =	shalt  }
0x42: {  	_ =	shalt  }
0x43: {  	_ =	shalt  }
0x44: {  	_ =	shalt  }
0x45: {  	_ =	shalt  }
0x46: {  	_ =	shalt  }
0x47: {  	_ =	shalt  }
0x48: {  	_ =	shalt  }
0x49: {  	_ =	shalt  }
0x4a: {  	_ =	shalt  }
0x4b: {  	_ =	shalt  }
0x4c: {  	_ =	shalt  }
0x4d: {  	_ =	shalt  }
0x4e: {  	_ =	shalt  }
0x4f: {  	_ =	shalt  }
0x50: {  	_ =	shalt  }
0x51: {  	_ =	shalt  }
0x52: {  	_ =	shalt  }
0x53: {  	_ =	shalt  }
0x54: {  	_ =	shalt  }
0x55: {  	_ =	shalt  }
0x56: {  	_ =	shalt  }
0x57: {  	_ =	shalt  }
0x58: {  	_ =	shalt  }
0x59: {  	_ =	shalt  }
0x5a: {  	_ =	shalt  }
0x5b: {  	_ =	shalt  }
0x5c: {  	_ =	shalt  }
0x5d: {  	_ =	shalt  }
0x5e: {  	_ =	shalt  }
0x5f: {  	_ =	shalt  }
0x60: {  	_ =	shalt  }
0x61: {  	_ =	shalt  }
0x62: {  	_ =	shalt  }
0x63: {  	_ =	shalt  }
0x64: {  	_ =	shalt  }
0x65: {  	_ =	shalt  }
0x66: {  	_ =	shalt  }
0x67: {  	_ =	shalt  }
0x68: {  	_ =	shalt  }
0x69: {  	_ =	shalt  }
0x6a: {  	_ =	shalt  }
0x6b: {  	_ =	shalt  }
0x6c: {  	_ =	shalt  }
0x6d: {  	_ =	shalt  }
0x6e: {  	_ =	shalt  }
0x6f: {  	_ =	shalt  }
0x70: {  	_ =	shalt  }
0x71: {  	_ =	shalt  }
0x72: {  	_ =	shalt  }
0x73: {  	_ =	shalt  }
0x74: {  	_ =	shalt  }
0x75: {  	_ =	shalt  }
0x76: {  	_ =	shalt  }
0x77: {  	_ =	shalt  }
0x78: {  	_ =	shalt  }
0x79: {  	_ =	shalt  }
0x7a: {  	_ =	shalt  }
0x7b: {  	_ =	shalt  }
0x7c: {  	_ =	shalt  }
0x7d: {  	_ =	shalt  }
0x7e: {  	_ =	shalt  }
0x7f: {  	_ =	shalt  }
0x80: {  	_ =	shalt  }
0x81: {  	_ =	shalt  }
0x82: {  	_ =	shalt  }
0x83: {  	_ =	shalt  }
0x84: {  	_ =	shalt  }
0x85: {  	_ =	shalt  }
0x86: {  	_ =	shalt  }
0x87: {  	_ =	shalt  }
.Lfunc_end0:
.L_simem_size_0:
called_computation_lowered:
.L_overlay_start_0:
0x88: {  	s2 =	sld [smem:$0x3FD9]  }
0x89: {  	s3 =	sld [smem:$0x3FFE];
	_ =	sdelay $0x1  }
0x8a: {  	s1 =	srdreg.scid  }
0x8b: {  	s0 =	sand.u32 $0x1, s1  }
0x8c: {  	s17 =	sshll.u32 s0, $0xA;
	s2 =	sadd.s32 s3, s2  }
0x8d: {  	s2 =	sadd.s32 s2, s17  }
0x8e: {  	[smem:$0x3FC5] =	sst s2  }
0x8f: {  	_ = 	snop  }
0x90: {  	s2 =	sld [smem:$0x3FC9]  }
0x91: {  	s18 =	sld [smem:$0x3FC8]  }
0x92: {  	s4 =	sld [smem:$0x3FC7];
	(tm) =	ssettm $0x1  }
0x93: {  	s5 =	sld [smem:$0x3FFB];
	_ =	sdelay $0x3  }
0x94: {  	_ =	strace s5  }
0x95: {  	s5 =	sld [smem:$0x3FFC];
	_ =	sdelay $0x3  }
0x96: {  	_ =	strace s5  }
0x97: {  	s5 =	sld [smem:$0x3FFD];
	_ =	sdelay $0x3  }
0x98: {  	_ =	strace s5  }
0x99: {  	_ =	strace $0x8FFFFFFF  }
0x9a: {  	s19 =	sld [smem:$0x3FDB];
	_ =	sdelay $0x1  }
0x9b: {  	s6 =	simm.s32 $_scs_section_size  }
0x9c: {  	s7 =	simm.s32 $_size__tile_overlayer_lowered;
	s8 =	simm.s32 $_tile_overlayer_lowered  }
0x9d: {  	s22 =	simm.s32 $0x1BFF;
	s21 =	sshll.u32 s8, $0x1;
	s5 =	sadd.s32 s6, s19  }
0x9e: {  	s9 =	simm.s32 $0x0;
	s20 =	sshll.u32 s7, $0x1;
	s7 =	sadd.s32 s21, s5  }
0x9f: {  	[timem:s9], [sflag:s22] =	dma.local [hbm:s7], s20  }
0xa0: {  	_ =	swait.ge [sflag:s22], s20  }
0xa1: {  	s6 =	ssub.s32 $0x0, s20;
	[sflag:s22] =	ssyncset.done $0x0  }
0xa2: {  	[sflag:s22] =	ssyncadd.s32 s6;
	_ =	sdelay $0x1  }
0xa3: {  	s23 =	simm.s32 $0x1B8B  }
0xa4: {  	_ =	swait.ge [sflag:s23], $0x1  }
0xa5: {  	[sflag:s23] =	ssyncset.done $0x0  }
0xa6: {  	s25 =	simm.s32 $0x1B8E;
	s24 =	sld [smem:$0x3FFE];
	[sflag:s23] =	ssyncadd.s32 $0xFFFFFFFF  }
0xa7: {  	s26 =	simm.s32 $execute0_lowered;
	[smem:$0x3FD2] =	sst s25  }
0xa8: {  	s7 =	sshll.u32 s26, $0x1;
	_ =	strace $0x80000046;
	[dreg:$0x1] =	wrdreg $0xFFFFFFFF  }
0xa9: {  	s28 =	simm.s32 $_size_execute0_lowered;
	s5 =	sadd.s32 s5, s7;
	[dreg:$0x0] =	wrdreg $0x0  }
0xaa: {  	s7 =	sshll.u32 s28, $0x1;
	[dreg:$0x2] =	wrdreg s5  }
0xab: {  	[dreg:$0x3] =	wrdreg s7  }
0xac: {  	[dreg:$0x4] =	wrdreg $0xC0  }
0xad: {  	_ =	task [dreg:s9], $0x5FFFF  }
0xae: {  	[dreg:$0x1] =	wrdreg $0xFFFFFFFF  }
0xaf: {  	[dreg:$0x0] =	wrdreg $0x60  }
0xb0: {  	[dreg:$0x2] =	wrdreg s2  }
0xb1: {  	[dreg:$0x3] =	wrdreg s18  }
0xb2: {  	[dreg:$0x4] =	wrdreg s4  }
0xb3: {  	[dreg:$0x5] =	wrdreg s24  }
0xb4: {  	[dreg:$0x6] =	wrdreg $0x31100  }
0xb5: {  	[dreg:$0x7] =	wrdreg $0x9  }
0xb6: {  	_ =	task.clear_ibuf [dreg:s9], $0x8FFFF;
	_ =	strace $0x90000046  }
0xb7: {  	s29 =	simm.s32 $0x9;
	_ =	strace $0x80000048  }
0xb8: {  	_ =	swait.ge [sflag:s29], $0x1  }
0xb9: {  	[sflag:s29] =	ssyncadd.s32 $0xFFFFFFFF  }
0xba: {  	_ =	strace $0x90000048  }
0xbb: {  	_ =	sfence  }
0xbc: {  	s30 =	sld [smem:$0x0];
	_ =	sdelay $0x2  }
0xbd: {  	s31 =	sshll.u32 s1, $0xD;
	s1 =	sshrl.u32 s1, $0x2  }
0xbe: {  	s3 =	sand.u32 $0x4000, s31;
	s1 =	sadd.s32 s1, s30  }
0xbf: {  	s0 =	sor.u32 s3, s0;
	s1 =	sshll.u32 s1, $0x11  }
0xc0: {  	s0 =	sor.u32 s1, s0  }
0xc1: {  	s0 =	sadd.s32 $0x8F2B, s0  }
0xc2: {  	[sflag:s0] =	ssyncadd.remote.s32 $0x1  }
0xc3: {  	_ =	sfence.sel $0xFFFF  }
0xc4: {  	[dreg:$0x0] =	wrdreg $0xFFFFFFFF;
	(pc) =	sbr.abs _section_cstart, $3  }
0xc5: {  	[dreg:$0x1] =	wrdreg $0xFFFFFFFF  }
0xc6: {  	_ =	task.clear_ibuf [dreg:s9], $0x2FFFF;
	_ =	strace $0x9FFFFFFF  }
0xc7: {  	(tm) =	ssettm $0x7FFFFFFF  }
tec
execute0_lowered:
.L_overlay_start_1:
0x0: {  	(tag) =	ssettag $0x1  }
0x1: {  	s0 =	rddreg [dreg:$0x0]  }
0x2: {  	s4 =	rddreg [dreg:$0x1]  }
0x3: {  	s5 =	rddreg [dreg:$0x2]  }
0x4: {  	s6 =	rddreg [dreg:$0x3];
	s1 =	srdreg.scid  }
0x5: {  	s18 =	stileid.u32;
	s2 =	rddreg [dreg:$0x4];
	s3 =	simm.s32 $0x0  }
0x6: {  	s12 =	simm.s32 $0x620;
	s14 =	simm.s32 $0x1260;
	s15 =	simm.s32 $0x2  }
0x7: {  	s16 =	simm.s32 $0x1;
	s17 =	simm.s32 $0x3;
	s19 =	simm.s32 $0x4  }
0x8: {  	s20 =	simm.s32 $0x0;
	s7 =	sand.u32 $0x1, s1;
	s1 =	rddreg [dreg:$0x5]  }
0x9: {  	s8 =	sshll.u32 s18, $0x1;
	[smem:$0x7FF] =	sst s3;
	s10 =	smul.u32 $0x1880, s18  }
0xa: {  	s30 =	sshll.u32 s18, $0x4;
	p0 =	sne.s32 s18, $0x0;
	s8 =	sor.u32 s7, s8  }
0xb: {  	s9 =	sshll.u32 s7, $0x1;
	s28 =	ssub.s32 $0x2, s7;
	s7 =	smul.u32 $0xC40, s7  }
0xc: {  	s18 =	simm.s32 $0x3100;
	_ =	strace $0x80000047;
	s13 =	smul.u32 $0xC40, s8  }
0xd: {  	s26 =	sadd.s32 s9, s6;
	s11 =	sshrl.u32 s28, $0x1;
	s6 =	sadd.s32 s30, s2  }
0xe: {  	s11 =	ssub.s32 s28, s11;
	s31 =	sadd.s32 s7, s10;
	s7 =	sadd.s32 $0x400, s26  }
0xf: {  	v1 =	vlaneseq.u32;
	v3 =	vimm.f32 $0.0e+00;
	s10 =	simm.s32 $0x1880;
	s29 =	smin.u32 s13, $0x17A60;
	s8 =	smax.u32 s11, $0x1  }
0x10: {  	vm0 =	vmmov $0x1;
	vm1 =	vcmask $0x704;
	s11 =	simm.s32 $0x24C0;
	v0 =	vmov s13;
	s13 =	simm.s32 $0xC40;
	s9 =	sshrl.u32 s29, $0x3  }
0x11: {  	vm2 =	vcmask $0xB08;
	vm3 =	vcmask $0xF0C;
	v2 =	vmul.u32 $0x80, v1;
	s4 =	sadd.s32 s4, s9;
	s5 =	sadd.s32 s5, s9;
	s9 =	smin.u32 s31, $0x17A60  }
.LBB2_1:
0x12: {  	s21 =	sadd.s32 $0xFFFFFFE0, s9  }
0x13: {  	s22 =	sadd.s32 $0x20, s21;
	s21 =	sadd.s32 $0x30, s21  }
0x14: {  	[tilespmem:s10], [sflag:$0x1] =	stream.linear.gather [hbm4b:s4+s3], $0xC40, $0x38;
	v4 =	vmov s22;
	v5 =	vmov s21;
	[tilespmem:$0x3220] =	vst v63  }
0x15: {  	s24 =	simm.s32 $0x0;
	v4 =	vshll.u32 v4, $0x7;
	v5 =	vshll.u32 v5, $0x7  }
0x16: {  	[tilespmem:s11], [sflag:$0x1] =	stream.linear.gather [hbm4b:s5+s3], $0xC40, $0x38;
	v4 =	vor.u32 v2, v4;
	v6 =	vor.u32 v2, v5;
	[tilespmem:$0x3220] =	vst v63  }
0x17: {  	s23 =	simm.s32 $0x20;
	s21 =	simm.s32 $0x10;
	s22 =	simm.s32 $0x10;
	v5 =	vor.u32 $0x7F, v4;
	v4 =	vor.u32 $0x7F, v6  }
.LBB2_2:
0x18: {  	s25 =	sadd.s32 s24, s9;
	s24 =	smov.u32 s23;
	s23 =	sadd.s32 $0x20, s23  }
0x19: {  	[tilespmem:s21+$0xFFFFFFF0] =	vst v5;
	s22 =	sadd.s32 $0x20, s22;
	p1 =	slt.u32 s23, $0x600  }
.Ltmp0:
0x1a: {  	s26 =	sadd.s32 $0x20, s25;
	s25 =	sadd.s32 $0x30, s25;
	[tilespmem:s21+$0x0] =	vst v4;
	(pc) =	sbr.rel @p1 .LBB2_2-.Ltmp0, $4  }
0x1b: {  	s21 =	smov.u32 s22;
	v4 =	vmov s26;
	v5 =	vmov s25  }
0x1c: {  	v4 =	vshll.u32 v4, $0x7;
	v5 =	vshll.u32 v5, $0x7  }
0x1d: {  	v4 =	vor.u32 v2, v4;
	v6 =	vor.u32 v2, v5  }
0x1e: {  	v5 =	vor.u32 $0x7F, v4;
	v4 =	vor.u32 $0x7F, v6  }
0x1f: {  	s23 =	sadd.s32 s24, s9  }
0x20: {  	s24 =	sadd.s32 $0x20, s23  }
0x21: {  	s23 =	sadd.s32 $0x30, s23;
	v6 =	vmov s24  }
0x22: {  	v7 =	vmov s23;
	v6 =	vshll.u32 v6, $0x7  }
0x23: {  	[tilespmem:s21+$0xFFFFFFF0] =	vst v5;
	v5 =	vshll.u32 v7, $0x7;
	v6 =	vor.u32 v2, v6  }
0x24: {  	[tilespmem:s21+$0x0] =	vst v4;
	s29 =	sadd.s32 $0x20, s22;
	s30 =	sadd.s32 $0x600, s9;
	v4 =	vor.u32 v2, v5;
	v5 =	vor.u32 $0x7F, v6  }
0x25: {  	s31 =	sadd.s32 $0x20, s30;
	s22 =	sadd.s32 $0x30, s30;
	v4 =	vor.u32 $0x7F, v4;
	[tilespmem:s29+$0xFFFFFFF0] =	vst v5  }
0x26: {  	[tilespmem:s29+$0x0] =	vst v4;
	v4 =	vmov s31;
	v5 =	vmov s22  }
0x27: {  	s21 =	simm.s32 $0x630;
	v4 =	vshll.u32 v4, $0x7;
	v5 =	vshll.u32 v5, $0x7  }
0x28: {  	s24 =	simm.s32 $0x620;
	s23 =	simm.s32 $0x640;
	s22 =	simm.s32 $0x630;
	v4 =	vor.u32 v2, v4;
	v6 =	vor.u32 v2, v5  }
0x29: {  	[tilespmem:s13], [sflag:$0x2] =	stream.indirect.gather [hbm4b:s0+s12], $0x1, s3, s12, $0xb8;
	v5 =	vor.u32 $0x7F, v4;
	v4 =	vor.u32 $0x7F, v6;
	[tilespmem:$0x3220] =	vst v63  }
.LBB2_4:
0x2a: {  	s25 =	sadd.s32 s24, s9;
	s24 =	smov.u32 s23;
	s23 =	sadd.s32 $0x20, s23  }
0x2b: {  	[tilespmem:s21+$0xFFFFFFF0] =	vst v5;
	s22 =	sadd.s32 $0x20, s22;
	p1 =	slt.u32 s23, $0xC20  }
.Ltmp1:
0x2c: {  	s26 =	sadd.s32 $0x20, s25;
	s25 =	sadd.s32 $0x30, s25;
	[tilespmem:s21+$0x0] =	vst v4;
	(pc) =	sbr.rel @p1 .LBB2_4-.Ltmp1, $4  }
0x2d: {  	s21 =	smov.u32 s22;
	v4 =	vmov s26;
	v5 =	vmov s25  }
0x2e: {  	v4 =	vshll.u32 v4, $0x7;
	v5 =	vshll.u32 v5, $0x7  }
0x2f: {  	v4 =	vor.u32 v2, v4;
	v6 =	vor.u32 v2, v5  }
0x30: {  	v5 =	vor.u32 $0x7F, v4;
	v4 =	vor.u32 $0x7F, v6  }
0x31: {  	s23 =	sadd.s32 s24, s9  }
0x32: {  	s24 =	sadd.s32 $0x20, s23  }
0x33: {  	s23 =	sadd.s32 $0x30, s23;
	v6 =	vmov s24  }
0x34: {  	v7 =	vmov s23;
	v6 =	vshll.u32 v6, $0x7  }
0x35: {  	[tilespmem:s21+$0xFFFFFFF0] =	vst v5;
	v5 =	vshll.u32 v7, $0x7;
	v6 =	vor.u32 v2, v6  }
0x36: {  	s22 =	sadd.s32 $0x20, s22;
	[tilespmem:s21+$0x0] =	vst v4;
	v4 =	vor.u32 v2, v5;
	v5 =	vor.u32 $0x7F, v6  }
0x37: {  	v4 =	vor.u32 $0x7F, v4;
	[tilespmem:s22+$0xFFFFFFF0] =	vst v5  }
0x38: {  	[tilespmem:s22+$0x0] =	vst v4  }
0x39: {  	[tilespmem:s14], [sflag:$0x3] =	stream.indirect.gather [hbm4b:s0+s12], $0x1, s12, s12, $0xb8;
	[tilespmem:$0x3220] =	vst v63  }
0x3a: {  	_ =	swait.ge [sflag:s15], $0x620  }
0x3b: {  	[sflag:s15] =	ssyncset.done $0x0  }
0x3c: {  	[sflag:s15] =	ssyncadd.s32 $0xFFFFF9E0  }
0x3d: {  	_ =	swait.ge [sflag:s16], $0xC40  }
0x3e: {  	[sflag:s16] =	ssyncset.done $0x0  }
0x3f: {  	[sflag:s16] =	ssyncadd.s32 $0xFFFFF3C0  }
0x40: {  	_ =	swait.ge [sflag:s16], $0xC40  }
0x41: {  	[sflag:s16] =	ssyncset.done $0x0  }
0x42: {  	s29 =	simm.s32 $0x24D0;
	[sflag:s16] =	ssyncadd.s32 $0xFFFFF3C0  }
0x43: {  	v5 =	vld [tilespmem:s29+$0x0]  }
0x44: {  	s21 =	simm.s32 $0xC50;
	v6 =	vld [tilespmem:s29+$0xFFFFFFF0]  }
0x45: {  	v7 =	vld [tilespmem:s21+$0x0]  }
0x46: {  	s22 =	simm.s32 $0x1890;
	v8 =	vld [tilespmem:s21+$0xFFFFFFF0]  }
0x47: {  	s30 =	sadd.s32 $0xFFFFFFE0, s9;
	v9 =	vld [tilespmem:s22+$0xFFFFFFF0]  }
0x48: {  	s31 =	sadd.s32 $0x30, s30;
	s23 =	sadd.s32 $0x20, s30;
	v10 =	vld [tilespmem:s22+$0x0]  }
0x49: {  	v11 =	vor.u32 s31, v1;
	v12 =	vor.u32 s23, v1  }
0x4a: {  	vm4 =	vge.u32 v11, v0;
	vm5 =	vge.u32 v12, v0  }
0x4b: {  	v4 =	vimm.f32 $0.0e+00;
	vm7 =	vgt.f32 v7, $0.0e+00;
	v5 =	vmul.f32 v5, v5  }
0x4c: {  	v11 =	vsub.f32 v8, v9;
	v9 =	vmul.f32 v6, v6;
	vm6 =	veq.f32 v7, $0.0e+00  }
0x4d: {  	vm9 =	vgt.f32 v8, $0.0e+00;
	vm8 =	veq.f32 v8, $0.0e+00;
	v10 =	vsub.f32 v7, v10  }
0x4e: {  	v8 =	vimm.f32 $0.0e+00;
	v7 =	vimm.f32 $0.0e+00;
	v6 =	vimm.f32 $0.0e+00  }
0x4f: {  	s24 =	simm.s32 $0x24F0;
	s23 =	simm.s32 $0x0;
	vm9 =	vmand vm5, vm9;
	vm7 =	vmand vm4, vm7;
	v11 =	vmul.f32 v11, v11  }
.LBB2_6:
0x50: {  	v12 =	vld [tilespmem:s24+$0x0];
	v13 =	vsel vm9, $0x3F800000, v3;
	vm5 =	vmand vm5, vm8;
	vm4 =	vmand vm4, vm6  }
0x51: {  	v10 =	vmul.f32 v10, v10;
	s21 =	sadd.s32 $0x20, s21;
	v14 =	vld [tilespmem:s24+$0xFFFFFFF0];
	v15 =	vsel vm5, $0x3F800000, v3;
	v11 =	vmul.f32 v13, v11  }
0x52: {  	v17 =	vsel vm7, $0x3F800000, v3;
	v18 =	vsel vm4, $0x3F800000, v3;
	v16 =	vld [tilespmem:s21+$0x0];
	v9 =	vmul.f32 v15, v9  }
0x53: {  	s22 =	sadd.s32 $0x20, s22;
	v8 =	vadd.f32 v13, v8;
	v10 =	vmul.f32 v17, v10;
	v19 =	vld [tilespmem:s21+$0xFFFFFFF0];
	v4 =	vadd.f32 v11, v4  }
0x54: {  	s25 =	sadd.s32 s23, s9;
	v6 =	vadd.f32 v15, v6;
	v5 =	vmul.f32 v18, v5;
	v11 =	vld [tilespmem:s22+$0xFFFFFFF0];
	v7 =	vadd.f32 v9, v7  }
0x55: {  	s23 =	sadd.s32 $0x20, s23;
	s26 =	sadd.s32 $0x30, s25;
	v8 =	vadd.f32 v17, v8;
	v13 =	vld [tilespmem:s22+$0x0];
	v4 =	vadd.f32 v10, v4  }
0x56: {  	s25 =	sadd.s32 $0x20, s25;
	p1 =	slt.u32 s23, $0x600;
	v9 =	vor.u32 s26, v1;
	v6 =	vadd.f32 v18, v6;
	v7 =	vadd.f32 v5, v7  }
.Ltmp2:
0x57: {  	vm4 =	vge.u32 v9, v0;
	v5 =	vor.u32 s25, v1;
	(pc) =	sbr.rel @p1 .LBB2_6-.Ltmp2, $4  }
0x58: {  	vm5 =	vge.u32 v5, v0;
	vm7 =	vgt.f32 v16, $0.0e+00;
	v5 =	vmul.f32 v12, v12  }
0x59: {  	v9 =	vmul.f32 v14, v14;
	vm6 =	veq.f32 v16, $0.0e+00;
	v11 =	vsub.f32 v19, v11  }
0x5a: {  	vm9 =	vgt.f32 v19, $0.0e+00;
	vm8 =	veq.f32 v19, $0.0e+00;
	v10 =	vsub.f32 v16, v13  }
0x5b: {  	s24 =	sadd.s32 $0x20, s24;
	vm7 =	vmand vm4, vm7;
	vm9 =	vmand vm5, vm9;
	v11 =	vmul.f32 v11, v11  }
0x5c: {  	_ =	swait.ge [sflag:s17], $0x620  }
0x5d: {  	[sflag:s17] =	ssyncset.done $0x0  }
0x5e: {  	s22 =	simm.s32 $0x2AF0;
	[sflag:s17] =	ssyncadd.s32 $0xFFFFF9E0  }
0x5f: {  	v12 =	vsel vm9, $0x3F800000, v3;
	vm5 =	vmand vm5, vm8;
	v13 =	vld [tilespmem:s22+$0x0]  }
0x60: {  	v10 =	vmul.f32 v10, v10;
	s21 =	simm.s32 $0x1270;
	vm4 =	vmand vm4, vm6;
	v11 =	vmul.f32 v12, v11;
	v15 =	vld [tilespmem:s22+$0xFFFFFFF0]  }
0x61: {  	v16 =	vsel vm7, $0x3F800000, v3;
	v14 =	vsel vm5, $0x3F800000, v3;
	v18 =	vsel vm4, $0x3F800000, v3;
	v17 =	vld [tilespmem:s21+$0x0]  }
0x62: {  	s23 =	sadd.s32 $0x600, s9;
	v8 =	vadd.f32 v12, v8;
	v9 =	vmul.f32 v14, v9;
	v4 =	vadd.f32 v11, v4;
	s22 =	simm.s32 $0x1EB0;
	v11 =	vld [tilespmem:s21+$0xFFFFFFF0]  }
0x63: {  	s24 =	sadd.s32 $0x30, s23;
	v10 =	vmul.f32 v16, v10;
	v5 =	vmul.f32 v18, v5;
	v14 =	vadd.f32 v14, v6;
	v63 =	vld [tilespmem:s22+$0xFFFFFFF0]  }
0x64: {  	v6 =	vadd.f32 v16, v8;
	v8 =	vor.u32 s24, v1;
	v9 =	vadd.f32 v9, v7  }
0x65: {  	s23 =	sadd.s32 $0x20, s23;
	vm4 =	vge.u32 v8, v0;
	v7 =	vadd.f32 v10, v4;
	v10 =	vld [tilespmem:s22+$0x0]  }
0x66: {  	v4 =	vadd.f32 v18, v14;
	v5 =	vadd.f32 v5, v9;
	v9 =	vor.u32 s23, v1  }
0x67: {  	vm5 =	vge.u32 v9, v0;
	vm7 =	vgt.f32 v17, $0.0e+00;
	v8 =	vmul.f32 v13, v13  }
0x68: {  	v9 =	vmul.f32 v15, v15;
	vm9 =	vgt.f32 v11, $0.0e+00;
	v12 =	vsub.f32 v11, v63  }
0x69: {  	vm6 =	veq.f32 v17, $0.0e+00;
	vm8 =	veq.f32 v11, $0.0e+00;
	vm9 =	vmand vm5, vm9  }
0x6a: {  	s24 =	simm.s32 $0x2B10;
	s23 =	simm.s32 $0x620;
	vm7 =	vmand vm4, vm7;
	v10 =	vsub.f32 v17, v10;
	v11 =	vmul.f32 v12, v12  }
.LBB2_8:
0x6b: {  	v12 =	vld [tilespmem:s24+$0x0];
	v13 =	vsel vm9, $0x3F800000, v3;
	vm5 =	vmand vm5, vm8;
	vm4 =	vmand vm4, vm6  }
0x6c: {  	v10 =	vmul.f32 v10, v10;
	s21 =	sadd.s32 $0x20, s21;
	v14 =	vld [tilespmem:s24+$0xFFFFFFF0];
	v15 =	vsel vm5, $0x3F800000, v3;
	v11 =	vmul.f32 v13, v11  }
0x6d: {  	v17 =	vsel vm7, $0x3F800000, v3;
	v18 =	vsel vm4, $0x3F800000, v3;
	v16 =	vld [tilespmem:s21+$0x0];
	v9 =	vmul.f32 v15, v9  }
0x6e: {  	s22 =	sadd.s32 $0x20, s22;
	v6 =	vadd.f32 v13, v6;
	v10 =	vmul.f32 v17, v10;
	v19 =	vld [tilespmem:s21+$0xFFFFFFF0];
	v7 =	vadd.f32 v11, v7  }
0x6f: {  	s25 =	sadd.s32 s23, s9;
	v4 =	vadd.f32 v15, v4;
	v8 =	vmul.f32 v18, v8;
	v11 =	vld [tilespmem:s22+$0xFFFFFFF0];
	v5 =	vadd.f32 v9, v5  }
0x70: {  	s23 =	sadd.s32 $0x20, s23;
	s26 =	sadd.s32 $0x30, s25;
	v6 =	vadd.f32 v17, v6;
	v13 =	vld [tilespmem:s22+$0x0];
	v7 =	vadd.f32 v10, v7  }
0x71: {  	s25 =	sadd.s32 $0x20, s25;
	p1 =	slt.u32 s23, $0xC20;
	v9 =	vor.u32 s26, v1;
	v4 =	vadd.f32 v18, v4;
	v5 =	vadd.f32 v8, v5  }
.Ltmp3:
0x72: {  	vm4 =	vge.u32 v9, v0;
	v8 =	vor.u32 s25, v1;
	(pc) =	sbr.rel @p1 .LBB2_8-.Ltmp3, $4  }
0x73: {  	vm5 =	vge.u32 v8, v0;
	vm7 =	vgt.f32 v16, $0.0e+00;
	v8 =	vmul.f32 v12, v12  }
0x74: {  	v9 =	vmul.f32 v14, v14;
	vm6 =	veq.f32 v16, $0.0e+00;
	v11 =	vsub.f32 v19, v11  }
0x75: {  	vm9 =	vgt.f32 v19, $0.0e+00;
	vm8 =	veq.f32 v19, $0.0e+00;
	v10 =	vsub.f32 v16, v13  }
0x76: {  	s24 =	sadd.s32 $0x20, s24;
	vm7 =	vmand vm4, vm7;
	vm9 =	vmand vm5, vm9;
	v11 =	vmul.f32 v11, v11  }
0x77: {  	v12 =	vsel vm9, $0x3F800000, v3  }
0x78: {  	v10 =	vmul.f32 v10, v10;
	v11 =	vmul.f32 v12, v11  }
0x79: {  	vm5 =	vmand vm5, vm8;
	v13 =	vsel vm7, $0x3F800000, v3  }
0x7a: {  	v14 =	vsel vm5, $0x3F800000, v3;
	v10 =	vmul.f32 v13, v10;
	v7 =	vadd.f32 v11, v7  }
0x7b: {  	vm4 =	vmand vm4, vm6;
	v6 =	vadd.f32 v12, v6;
	v9 =	vmul.f32 v14, v9  }
0x7c: {  	v60 =	vsel vm4, $0x3F800000, v3;
	v7 =	vadd.f32 v10, v7  }
0x7d: {  	v8 =	vmul.f32 v60, v8;
	v6 =	vadd.f32 v13, v6;
	v5 =	vadd.f32 v9, v5  }
0x7e: {  	(xrf2) =	vadd.scan.msk.f32 $0xffff, v7  }
0x7f: {  	v4 =	vadd.f32 v14, v4;
	v5 =	vadd.f32 v8, v5;
	(xrf2) =	vadd.scan.msk.f32 $0xffff, v6;
	_ =	sdelay $0x1  }
0x80: {  	v4 =	vadd.f32 v60, v4;
	(xrf2) =	vadd.scan.msk.f32 $0xffff, v5;
	_ =	sdelay $0x1  }
0x81: {  	(xrf2) =	vadd.scan.msk.f32 $0xffff, v4;
	_ =	sdelay $0x4  }
0x82: {  	v4, _, _ =	vpop (xrf2)  }
0x83: {  	v5, _, _ =	vpop (xrf2)  }
0x84: {  	v4 =	vbroadcast v4, $0xF;
	v5 =	vbroadcast v5, $0xF  }
0x85: {  	v61, _, _ =	vpop (xrf2)  }
0x86: {  	v4 =	vnsel vm0, $0x0, v4;
	v6 =	vbroadcast v61, $0xF;
	v5 =	vnsel vm1, $0x0, v5  }
0x87: {  	v62, _, _ =	vpop (xrf2);
	v4 =	vadd.f32 v5, v4  }
0x88: {  	v63 =	vbroadcast v62, $0xF;
	v5 =	vnsel vm2, $0x0, v6  }
0x89: {  	v4 =	vadd.f32 v5, v4  }
0x8a: {  	v5 =	vnsel vm3, $0x0, v63  }
0x8b: {  	v4 =	vadd.f32 v5, v4;
	_ =	sdelay $0x1  }
0x8c: {  	[tilespmem:$0x3100] =	vst v4  }
0x8d: {  	[spmem:s6] =	stream.linear.scatter [tilespmem:s18], [sflag:$0x4], $0x10, $0x38;
	[tilespmem:$0x3220] =	vst v63  }
0x8e: {  	_ =	swait.ge [sflag:s19], $0x10  }
0x8f: {  	[sflag:s19] =	ssyncset.done $0x0  }
0x90: {  	[sflag:s19] =	ssyncadd.s32 $0xFFFFFFF0  }
0x91: {  	s21 =	simm.s32 @!p0 $0x3120;
	[bflag:$0x0] =	sbarrier.arrive $0xFFFF  }
0x92: {  	[tilespmem:s21], [sflag:$0x4] =	stream.linear.gather @!p0 [spmem:s2], $0x100, $0x38;
	[tilespmem:$0x3220] =	vst v63  }
0x93: {  	s21 =	simm.s32 @!p0 $0x4  }
0x94: {  	_ =	swait.ge @!p0 [sflag:s21], $0x100  }
0x95: {  	[sflag:s21] =	ssyncset.done @!p0 $0x0  }
0x96: {  	[sflag:s21] =	ssyncadd.s32 @!p0 $0xFFFFFF00  }
0x97: {  	v4 =	vld @!p0 [tilespmem:$0x3120]  }
0x98: {  	v5 =	vld @!p0 [tilespmem:$0x3130];
	_ =	sdelay $0x1  }
0x99: {  	v6 =	vld @!p0 [tilespmem:$0x3140];
	_ =	sdelay $0x1  }
0x9a: {  	v7 =	vld @!p0 [tilespmem:$0x3150]  }
0x9b: {  	v4 =	vadd.f32 @!p0 v5, v4  }
0x9c: {  	v5 =	vld @!p0 [tilespmem:$0x3160]  }
0x9d: {  	v4 =	vadd.f32 @!p0 v6, v4  }
0x9e: {  	v6 =	vld @!p0 [tilespmem:$0x3170]  }
0x9f: {  	v4 =	vadd.f32 @!p0 v7, v4  }
0xa0: {  	v7 =	vld @!p0 [tilespmem:$0x3180]  }
0xa1: {  	v4 =	vadd.f32 @!p0 v5, v4  }
0xa2: {  	v5 =	vld @!p0 [tilespmem:$0x3190]  }
0xa3: {  	v4 =	vadd.f32 @!p0 v6, v4  }
0xa4: {  	v6 =	vld @!p0 [tilespmem:$0x31A0]  }
0xa5: {  	v4 =	vadd.f32 @!p0 v7, v4  }
0xa6: {  	v7 =	vld @!p0 [tilespmem:$0x31B0]  }
0xa7: {  	v4 =	vadd.f32 @!p0 v5, v4  }
0xa8: {  	v5 =	vld @!p0 [tilespmem:$0x31C0]  }
0xa9: {  	v4 =	vadd.f32 @!p0 v6, v4  }
0xaa: {  	v6 =	vld @!p0 [tilespmem:$0x31D0]  }
0xab: {  	v4 =	vadd.f32 @!p0 v7, v4  }
0xac: {  	v7 =	vld @!p0 [tilespmem:$0x31E0]  }
0xad: {  	v4 =	vadd.f32 @!p0 v5, v4  }
0xae: {  	v5 =	vld @!p0 [tilespmem:$0x31F0]  }
0xaf: {  	v4 =	vadd.f32 @!p0 v6, v4  }
0xb0: {  	v6 =	vld @!p0 [tilespmem:$0x3200]  }
0xb1: {  	v4 =	vadd.f32 @!p0 v7, v4  }
0xb2: {  	v7 =	vld @!p0 [tilespmem:$0x3210]  }
0xb3: {  	v4 =	vadd.f32 @!p0 v5, v4;
	_ =	sdelay $0x1  }
0xb4: {  	v4 =	vadd.f32 @!p0 v6, v4;
	_ =	sdelay $0x1  }
0xb5: {  	s20 =	sadd.s32 $0x1, s20;
	v4 =	vadd.f32 @!p0 v7, v4  }
0xb6: {  	p1 =	sne.s32 s20, s8  }
.Ltmp4:
0xb7: {  	s22 =	simm.s32 @!p0 $0x0;
	s23 =	simm.s32 @!p0 $0x3100;
	[tilespmem:$0x3100] =	vst @!p0 v4;
	(pc) =	sbr.rel @p1 .LBB2_1-.Ltmp4, $4  }
0xb8: {  	[hbm4b:s7+s22] =	stream.linear.scatter @!p0 [tilespmem:s23], [sflag:$0x4], $0x10, $0x38;
	[tilespmem:$0x3220] =	vst v63  }
0xb9: {  	_ =	swait.ge @!p0 [sflag:s21], $0x10  }
0xba: {  	[sflag:s21] =	ssyncset.done @!p0 $0x0  }
0xbb: {  	[sflag:s21] =	ssyncadd.s32 @!p0 $0xFFFFFFF0  }
0xbc: {  	_ =	sfence.sel $0x180000  }
0xbd: {  	[bflag:$0x0] =	sbarrier.arrive $0xFFFF  }
0xbe: {  	_ =	strace $0x90000047  }
0xbf: {  	s0 =	sadd.s32 @!p0 $0x100000, s1;
	[bflag:$0x2] =	sbarrier.arrive $0xFFFF  }
0xc0: {  	[sflag:s0] =	ssyncadd.tile.s32 @!p0 $0x1;
	_ =	shalt  }
.Lfunc_end2:
_tile_overlayer_lowered:
.L_overlay_start_2:
0xc1: {  	(tag) =	ssettag $0x2  }
0xc2: {  	s0 =	rddreg [dreg:$0x0];
	s2 =	stileid.u32  }
0xc3: {  	s1 =	rddreg [dreg:$0x1];
	p0 =	sne.s32 s2, $0x0  }
0xc4: {  	s3 =	rddreg [dreg:$0x2];
	[bflag:$0x3] =	sbarrier.arrive $0xFFFF;
	s2 =	simm.s32 @!p0 $0x1C04  }
0xc5: {  	[timem:s3], [sflag:s2] =	dma.local @!p0 [hbm:s0], s1  }
0xc6: {  	s0 =	simm.s32 @!p0 $0x4  }
0xc7: {  	_ =	swait.ge @!p0 [sflag:s0], s1  }
0xc8: {  	s1 =	ssub.s32 @!p0 $0x0, s1;
	[sflag:s0] =	ssyncset.done @!p0 $0x0  }
0xc9: {  	[sflag:s0] =	ssyncadd.s32 @!p0 s1  }
0xca: {  	[bflag:$0x3] =	sbarrier.arrive $0xFFFF  }
0xcb: {  	_ =	shalt  }

</sc_bundles>
